<compile_context>
chip_gen: v7x
topology: tpu7x:2x2x1
jax: 0.10.2.dev20260603
libtpu: 0.0.44.dev20260713+nightly
codegen_flags: <defaults>
</compile_context>

<pallas_src>
import jax
import jax.numpy as jnp
from jax import lax
from jax.experimental import pallas as pl
from jax.experimental.pallas import tpu as pltpu
from jax.experimental.pallas import tpu_sc as plsc

_NC = 2
_NS = 16
_NW = _NC * _NS
_L = 16

_ROWS = 16384
_COLS = 200
_N = _ROWS * _COLS
_K = 8
_UNIT = _K * 8 * 128
_UNITS = _N // _UNIT
_UPW_LO = _UNITS // _NW
_EXTRA = _UNITS - _UPW_LO * _NW
_SLOTS = _UPW_LO + 1
_UPJ = 128 // _K
_JROW = 2 * _ROWS
_KC = _K * 256
_VPJ = _K * 8


def _sc_body(ids_hbm, w_hbm, out_hbm,
             w20_v, table0_v, table1_v, ids_v0, ids_v1, out_v0, out_v1,
             in_s0, in_s1, out_s0, out_s1):
    wid = lax.axis_index("s") * _NC + lax.axis_index("c")
    n_units = _UPW_LO + jnp.where(wid < _EXTRA, 1, 0)
    u_base = wid * _UPW_LO + jnp.minimum(wid, _EXTRA)
    pltpu.sync_copy(w_hbm, w20_v)
    iota = lax.iota(jnp.int32, _L)
    in_tab = iota < 10
    iota2 = jnp.where(in_tab, iota * 2, 0)
    table0_v[...] = plsc.load_gather(w20_v, [iota2], mask=in_tab)
    table1_v[...] = plsc.load_gather(w20_v, [iota2 + 1], mask=in_tab)
    ids_bufs = (ids_v0, ids_v1)
    out_bufs = (out_v0, out_v1)
    in_sems = (in_s0, in_s1)
    out_sems = (out_s0, out_s1)

    def issue_in(u, buf, sem):
        pltpu.async_copy(ids_hbm.at[pl.ds((u_base + u) * _UNIT, _UNIT)],
                         buf, sem)

    def drain(buf, sem):
        pltpu.make_async_copy(ids_hbm.at[pl.ds(0, _UNIT)], buf, sem).wait() \
            if buf.shape == (_UNIT,) else \
            pltpu.make_async_copy(out_hbm.at[pl.ds(0, 2 * _UNIT)], buf,
                                  sem).wait()

    issue_in(0, ids_bufs[0], in_sems[0])

    def do_unit(u, b):
        u_g = u_base + u
        jt = u_g // _UPJ
        itg = u_g % _UPJ
        q0 = (jt * 8) * _JROW + itg * _KC
        ids_v = ids_bufs[b]
        out_v = out_bufs[b]

        @pl.when(u + 1 < n_units)
        def _():
            issue_in(u + 1, ids_bufs[1 - b], in_sems[1 - b])

        drain(ids_v, in_sems[b])

        @pl.when(u >= 2)
        def _():
            drain(out_v, out_sems[b])

        def js_body(js, carry):
            @plsc.parallel_loop(0, _VPJ, unroll=8)
            def vec_body(q):
                it_r = q >> 3
                lb = (q & 7) * _L
                boff = it_r * 1024 + js * 128 + lb
                oo = js * _KC + it_r * 256 + lb
                idv = ids_v[pl.ds(boff, _L)]
                v0 = plsc.load_gather(table0_v, [idv])
                v1 = plsc.load_gather(table1_v, [idv])
                out_v[pl.ds(oo, _L)] = v0
                out_v[pl.ds(oo + 128, _L)] = v1
            pltpu.async_copy(out_v.at[pl.ds(js * _KC, _KC)],
                             out_hbm.at[pl.ds(q0 + js * _JROW, _KC)],
                             out_sems[b])
            return carry

        lax.fori_loop(0, 8, js_body, 0)

    def pair_body(ko, carry):
        for b in (0, 1):
            u = ko * 2 + b

            @pl.when(u < n_units)
            def _():
                do_unit(u, b)
        return carry

    lax.fori_loop(0, (_SLOTS + 1) // 2, pair_body, 0)
    drain(out_bufs[0], out_sems[0])
    drain(out_bufs[1], out_sems[1])


@jax.jit
def kernel(input_ids, weight):
    ids_lin = (input_ids.astype(jnp.int32)
               .reshape(128, 128, 25, 8)
               .transpose(2, 0, 3, 1)
               .reshape(-1))
    w_lin = weight.reshape(-1)
    mesh = plsc.VectorSubcoreMesh(
        core_axis_name="c", subcore_axis_name="s",
        num_cores=_NC, num_subcores=_NS)
    out_lin = pl.kernel(
        _sc_body,
        out_type=jax.ShapeDtypeStruct((2 * _N,), jnp.float32),
        mesh=mesh,
        scratch_types=[
            pltpu.VMEM((20,), jnp.float32),
            pltpu.VMEM((_L,), jnp.float32),
            pltpu.VMEM((_L,), jnp.float32),
            pltpu.VMEM((_UNIT,), jnp.int32),
            pltpu.VMEM((_UNIT,), jnp.int32),
            pltpu.VMEM((2 * _UNIT,), jnp.float32),
            pltpu.VMEM((2 * _UNIT,), jnp.float32),
            pltpu.SemaphoreType.DMA,
            pltpu.SemaphoreType.DMA,
            pltpu.SemaphoreType.DMA,
            pltpu.SemaphoreType.DMA,
        ],
        compiler_params=pltpu.CompilerParams(needs_layout_passes=False),
    )(ids_lin, w_lin)
    return (out_lin.reshape(_COLS, 128, 2, 128)
            .transpose(1, 3, 0, 2)
            .reshape(_ROWS, _COLS, 2))

# --- scband reference (transcript-rebuilt; emitter-appended) ---
"""Pipeline reference for scband-tiny-model-74466142978638 (READ-ONLY COPY).

The authoritative reference and input builder live on the scoring server;
editing this copy changes nothing except your own understanding.
"""

import jax, jax.numpy as jnp
import numpy as np

def setup_inputs(seed: int = 0) -> dict:
    key = jax.random.key(seed)
    k1, k2 = jax.random.split(key)
    input_ids = jax.random.randint(k1, (16384, 200), 0, 10, dtype=jnp.int64)
    # Embedding table per nn.Embedding(10, 2): weights ~ N(0, 1)
    weight = jax.random.normal(k2, (10, 2), dtype=jnp.float32)
    return {"input_ids": input_ids, "weight": weight}

def reference(input_ids, weight):
    # nn.Embedding forward: gather rows of the table by index
    return jnp.take(weight, input_ids, axis=0)

if __name__ == "__main__":
    import jax
    _d = setup_inputs()
    print(jax.jit(kernel)(*tuple(_d.values())))

</pallas_src>

<mosaic_0001>
#map = affine_map<(d0, d1) -> (0)>
module attributes {stable_mosaic.version = 14 : i64} {
  func.func @_sc_body(%arg0: i32, %arg1: i32, %arg2: memref<3276800xi32, #tpu.memory_space<hbm>>, %arg3: memref<20xf32, #tpu.memory_space<hbm>>, %arg4: memref<6553600xf32, #tpu.memory_space<hbm>>, %arg5: memref<20xf32, #tpu.memory_space<vmem>>, %arg6: memref<16xf32, #tpu.memory_space<vmem>>, %arg7: memref<16xf32, #tpu.memory_space<vmem>>, %arg8: memref<8192xi32, #tpu.memory_space<vmem>>, %arg9: memref<8192xi32, #tpu.memory_space<vmem>>, %arg10: memref<16384xf32, #tpu.memory_space<vmem>>, %arg11: memref<16384xf32, #tpu.memory_space<vmem>>, %arg12: memref<!tpu.dma_semaphore, #tpu.memory_space<semaphore_mem>>, %arg13: memref<!tpu.dma_semaphore, #tpu.memory_space<semaphore_mem>>, %arg14: memref<!tpu.dma_semaphore, #tpu.memory_space<semaphore_mem>>, %arg15: memref<!tpu.dma_semaphore, #tpu.memory_space<semaphore_mem>>) attributes {dimension_semantics = [#tpu.dimension_semantics<core_parallel>, #tpu.dimension_semantics<subcore_parallel>], iteration_bounds = array<i64: 2, 16>, scalar_prefetch = 0 : i64, scratch_operands = 11 : i64, tpu.core_type = #tpu.core_type<sc_vector_subcore>, window_params = [{transform_indices = #map}, {transform_indices = #map}, {transform_indices = #map}]} {
    %mul3A = arith.constant 2 : i32
    %mul3A_0 = arith.muli %arg1, %mul3A : i32
    %add3A = arith.addi %mul3A_0, %arg0 : i32
    %lt3A = arith.constant 16 : i32
    %lt3A_1 = arith.cmpi slt, %add3A, %lt3A : i32
    %jit3A = arith.constant 1 : i32
    %jit3A_2 = arith.constant 0 : i32
    %select_n3A = arith.select %lt3A_1, %jit3A, %jit3A_2 : i32
    %add3A_3 = arith.constant 12 : i32
    %add3A_4 = arith.addi %add3A_3, %select_n3A : i32
    %mul3A_5 = arith.constant 12 : i32
    %mul3A_6 = arith.muli %add3A, %mul3A_5 : i32
    %min3A = arith.constant 16 : i32
    %min3A_7 = arith.minsi %add3A, %min3A : i32
    %add3A_8 = arith.addi %mul3A_6, %min3A_7 : i32
    "tpu.region"() ({
      %run_scoped3A = tpu.sem_alloc : memref<!tpu.dma_semaphore, #tpu.memory_space<semaphore_mem>>
      tpu.enqueue_dma source(%arg3 : memref<20xf32, #tpu.memory_space<hbm>>) target(%arg5 : memref<20xf32, #tpu.memory_space<vmem>>) target_semaphore(%run_scoped3A : memref<!tpu.dma_semaphore, #tpu.memory_space<semaphore_mem>>)
      tpu.wait_dma2 semaphore(%run_scoped3A : memref<!tpu.dma_semaphore, #tpu.memory_space<semaphore_mem>>) src(%arg3 : memref<20xf32, #tpu.memory_space<hbm>>) dst(%arg5 : memref<20xf32, #tpu.memory_space<vmem>>)
      tpu.yield
    }) : () -> ()
    %iota3A = tpu.iota {dimensions = array<i32: 0>} : vector<16xi32>
    %lt3A_9 = arith.constant 10 : i32
    %lt3A_10 = vector.broadcast %lt3A_9 : i32 to vector<16xi32>
    %lt3A_11 = arith.cmpi slt, %iota3A, %lt3A_10 : vector<16xi32>
    %mul3A_12 = arith.constant 2 : i32
    %mul3A_13 = vector.broadcast %mul3A_12 : i32 to vector<16xi32>
    %mul3A_14 = arith.muli %iota3A, %mul3A_13 : vector<16xi32>
    %jit3A_15 = arith.constant 0 : i32
    %broadcast_in_dim3A = vector.broadcast %jit3A_15 : i32 to vector<16xi32>
    %select_n3A_16 = arith.select %lt3A_11, %mul3A_14, %broadcast_in_dim3A : vector<16xi1>, vector<16xi32>
    %gather3A = tpu.vector_load_idx %arg5[%select_n3A_16] masked %lt3A_11 : memref<20xf32, #tpu.memory_space<vmem>>[vector<16xi32>], vector<16xf32>, vector<16xi1>
    %swap3A = arith.constant 0 : index
    %swap3A_17 = tpu.vector_load %arg6[%swap3A] {strides = array<i32>} : memref<16xf32, #tpu.memory_space<vmem>>, vector<16xf32>,
    tpu.vector_store %arg6[%swap3A], %gather3A {strides = array<i32>} : memref<16xf32, #tpu.memory_space<vmem>>, vector<16xf32>,
    %add3A_18 = arith.constant 1 : i32
    %add3A_19 = vector.broadcast %add3A_18 : i32 to vector<16xi32>
    %add3A_20 = arith.addi %select_n3A_16, %add3A_19 : vector<16xi32>
    %gather3A_21 = tpu.vector_load_idx %arg5[%add3A_20] masked %lt3A_11 : memref<20xf32, #tpu.memory_space<vmem>>[vector<16xi32>], vector<16xf32>, vector<16xi1>
    %swap3A_22 = arith.constant 0 : index
    %swap3A_23 = tpu.vector_load %arg7[%swap3A_22] {strides = array<i32>} : memref<16xf32, #tpu.memory_space<vmem>>, vector<16xf32>,
    tpu.vector_store %arg7[%swap3A_22], %gather3A_21 {strides = array<i32>} : memref<16xf32, #tpu.memory_space<vmem>>, vector<16xf32>,
    %add3A_24 = arith.constant 0 : i32
    %add3A_25 = arith.addi %add3A_8, %add3A_24 : i32
    %mul3A_26 = arith.constant 8192 : i32
    %mul3A_27 = arith.muli %add3A_25, %mul3A_26 : i32
    %dma_start3A = tpu.memref_slice %arg2[%mul3A_27] : memref<3276800xi32, #tpu.memory_space<hbm>> -> memref<8192xi32, #tpu.memory_space<hbm>>
    %dma_start3A_28 = tpu.memref_slice %arg2[%mul3A_27] : memref<3276800xi32, #tpu.memory_space<hbm>> -> memref<8192xi32, #tpu.memory_space<hbm>>
    tpu.enqueue_dma source(%dma_start3A_28 : memref<8192xi32, #tpu.memory_space<hbm>>) target(%arg8 : memref<8192xi32, #tpu.memory_space<vmem>>) target_semaphore(%arg12 : memref<!tpu.dma_semaphore, #tpu.memory_space<semaphore_mem>>)
    %scan3A = arith.constant 0 : i32
    %scan3A_29 = arith.constant 0 : i32
    %scan3A_30 = arith.constant 7 : i32
    %scan3A_31 = arith.addi %scan3A_29, %scan3A_30 : i32
    %scan3A_32 = arith.constant 1 : i32
    scf.for %scan3A_41 = %scan3A_29 to %scan3A_31 step %scan3A_32  : i32 {
      %mul3A_42 = arith.constant 2 : i32
      %mul3A_43 = arith.muli %scan3A_41, %mul3A_42 : i32
      %add3A_44 = arith.constant 0 : i32
      %add3A_45 = arith.addi %mul3A_43, %add3A_44 : i32
      %lt3A_46 = arith.cmpi slt, %add3A_45, %add3A_4 : i32
      %convert_element_type3A = arith.extui %lt3A_46 : i1 to i32
      %cond3A = arith.constant 0 : i32
      %cond3A_47 = arith.cmpi ne, %convert_element_type3A, %cond3A : i32
      scf.if %cond3A_47 {
        %add3A_56 = arith.addi %add3A_8, %add3A_45 : i32
        %jit3A_57 = arith.constant 16 : i32
        %div3A = arith.divsi %add3A_56, %jit3A_57 : i32
        %sign3A = arith.constant 0 : i32
        %sign3A_58 = arith.cmpi sgt, %add3A_56, %sign3A : i32
        %sign3A_59 = arith.extui %sign3A_58 : i1 to i32
        %sign3A_60 = arith.constant 0 : i32
        %sign3A_61 = arith.cmpi slt, %add3A_56, %sign3A_60 : i32
        %sign3A_62 = arith.extui %sign3A_61 : i1 to i32
        %sign3A_63 = arith.subi %sign3A_59, %sign3A_62 : i32
        %sign3A_64 = arith.constant 0 : i32
        %sign3A_65 = arith.cmpi sgt, %jit3A_57, %sign3A_64 : i32
        %sign3A_66 = arith.extui %sign3A_65 : i1 to i32
        %sign3A_67 = arith.constant 0 : i32
        %sign3A_68 = arith.cmpi slt, %jit3A_57, %sign3A_67 : i32
        %sign3A_69 = arith.extui %sign3A_68 : i1 to i32
        %sign3A_70 = arith.subi %sign3A_66, %sign3A_69 : i32
        %ne3A = arith.cmpi ne, %sign3A_63, %sign3A_70 : i32
        %rem3A = arith.remsi %add3A_56, %jit3A_57 : i32
        %ne3A_71 = arith.constant 0 : i32
        %ne3A_72 = arith.cmpi ne, %rem3A, %ne3A_71 : i32
        %and3A = arith.andi %ne3A, %ne3A_72 : i1
        %sub3A = arith.constant 1 : i32
        %sub3A_73 = arith.subi %div3A, %sub3A : i32
        %select_n3A_74 = arith.select %and3A, %sub3A_73, %div3A : i32
        %jit3A_75 = arith.constant 16 : i32
        %eq3A = arith.constant 0 : i32
        %eq3A_76 = arith.cmpi eq, %jit3A_75, %eq3A : i32
        %jit3A_77 = arith.constant 1 : i32
        %select_n3A_78 = arith.select %eq3A_76, %jit3A_77, %jit3A_75 : i32
        %rem3A_79 = arith.remsi %add3A_56, %select_n3A_78 : i32
        %ne3A_80 = arith.constant 0 : i32
        %ne3A_81 = arith.cmpi ne, %rem3A_79, %ne3A_80 : i32
        %lt3A_82 = arith.constant 0 : i32
        %lt3A_83 = arith.cmpi slt, %rem3A_79, %lt3A_82 : i32
        %lt3A_84 = arith.constant 0 : i32
        %lt3A_85 = arith.cmpi slt, %select_n3A_78, %lt3A_84 : i32
        %ne3A_86 = arith.xori %lt3A_83, %lt3A_85 : i1
        %and3A_87 = arith.andi %ne3A_86, %ne3A_81 : i1
        %add3A_88 = arith.addi %rem3A_79, %select_n3A_78 : i32
        %select_n3A_89 = arith.select %and3A_87, %add3A_88, %rem3A_79 : i32
        %mul3A_90 = arith.constant 8 : i32
        %mul3A_91 = arith.muli %select_n3A_74, %mul3A_90 : i32
        %mul3A_92 = arith.constant 32768 : i32
        %mul3A_93 = arith.muli %mul3A_91, %mul3A_92 : i32
        %mul3A_94 = arith.constant 2048 : i32
        %mul3A_95 = arith.muli %select_n3A_89, %mul3A_94 : i32
        %add3A_96 = arith.addi %mul3A_93, %mul3A_95 : i32
        %add3A_97 = arith.constant 1 : i32
        %add3A_98 = arith.addi %add3A_45, %add3A_97 : i32
        %lt3A_99 = arith.cmpi slt, %add3A_98, %add3A_4 : i32
        %convert_element_type3A_100 = arith.extui %lt3A_99 : i1 to i32
        %cond3A_101 = arith.constant 0 : i32
        %cond3A_102 = arith.cmpi ne, %convert_element_type3A_100, %cond3A_101 : i32
        scf.if %cond3A_102 {
          %add3A_117 = arith.constant 1 : i32
          %add3A_118 = arith.addi %add3A_45, %add3A_117 : i32
          %add3A_119 = arith.addi %add3A_8, %add3A_118 : i32
          %mul3A_120 = arith.constant 8192 : i32
          %mul3A_121 = arith.muli %add3A_119, %mul3A_120 : i32
          %dma_start3A_122 = tpu.memref_slice %arg2[%mul3A_121] : memref<3276800xi32, #tpu.memory_space<hbm>> -> memref<8192xi32, #tpu.memory_space<hbm>>
          %dma_start3A_123 = tpu.memref_slice %arg2[%mul3A_121] : memref<3276800xi32, #tpu.memory_space<hbm>> -> memref<8192xi32, #tpu.memory_space<hbm>>
          tpu.enqueue_dma source(%dma_start3A_123 : memref<8192xi32, #tpu.memory_space<hbm>>) target(%arg9 : memref<8192xi32, #tpu.memory_space<vmem>>) target_semaphore(%arg13 : memref<!tpu.dma_semaphore, #tpu.memory_space<semaphore_mem>>)
        } else {
        }
        %dma_wait3A_103 = arith.constant 0 : i32
        %dma_wait3A_104 = tpu.memref_slice %arg2[%dma_wait3A_103] : memref<3276800xi32, #tpu.memory_space<hbm>> -> memref<8192xi32, #tpu.memory_space<hbm>>
        %dma_wait3A_105 = arith.constant 0 : i32
        %dma_wait3A_106 = tpu.memref_slice %arg2[%dma_wait3A_105] : memref<3276800xi32, #tpu.memory_space<hbm>> -> memref<8192xi32, #tpu.memory_space<hbm>>
        tpu.wait_dma2 semaphore(%arg12 : memref<!tpu.dma_semaphore, #tpu.memory_space<semaphore_mem>>) src(%dma_wait3A_106 : memref<8192xi32, #tpu.memory_space<hbm>>) dst(%arg8 : memref<8192xi32, #tpu.memory_space<vmem>>)
        %ge3A = arith.constant 2 : i32
        %ge3A_107 = arith.cmpi sge, %add3A_45, %ge3A : i32
        %convert_element_type3A_108 = arith.extui %ge3A_107 : i1 to i32
        %cond3A_109 = arith.constant 0 : i32
        %cond3A_110 = arith.cmpi ne, %convert_element_type3A_108, %cond3A_109 : i32
        scf.if %cond3A_110 {
          %dma_wait3A_117 = arith.constant 0 : i32
          %dma_wait3A_118 = tpu.memref_slice %arg4[%dma_wait3A_117] : memref<6553600xf32, #tpu.memory_space<hbm>> -> memref<16384xf32, #tpu.memory_space<hbm>>
          %dma_wait3A_119 = arith.constant 0 : i32
          %dma_wait3A_120 = tpu.memref_slice %arg4[%dma_wait3A_119] : memref<6553600xf32, #tpu.memory_space<hbm>> -> memref<16384xf32, #tpu.memory_space<hbm>>
          tpu.wait_dma2 semaphore(%arg14 : memref<!tpu.dma_semaphore, #tpu.memory_space<semaphore_mem>>) src(%dma_wait3A_120 : memref<16384xf32, #tpu.memory_space<hbm>>) dst(%arg10 : memref<16384xf32, #tpu.memory_space<vmem>>)
        } else {
        }
        %scan3A_111 = arith.constant 0 : i32
        %scan3A_112 = arith.constant 0 : i32
        %scan3A_113 = arith.constant 8 : i32
        %scan3A_114 = arith.addi %scan3A_112, %scan3A_113 : i32
        %scan3A_115 = arith.constant 1 : i32
        scf.for %scan3A_117 = %scan3A_112 to %scan3A_114 step %scan3A_115  : i32 {
          %parallel_loop3A = arith.constant 0 : i32
          %parallel_loop3A_118 = arith.constant 64 : i32
          %parallel_loop3A_119 = arith.constant 1 : i32
          scf.for %parallel_loop3A_129 = %parallel_loop3A to %parallel_loop3A_118 step %parallel_loop3A_119  : i32 {
            %parallel_loop3A_130 = arith.constant 3 : i32
            %parallel_loop3A_131 = arith.shrsi %parallel_loop3A_129, %parallel_loop3A_130 : i32
            %parallel_loop3A_132 = arith.constant 7 : i32
            %parallel_loop3A_133 = arith.andi %parallel_loop3A_129, %parallel_loop3A_132 : i32
            %parallel_loop3A_134 = arith.constant 16 : i32
            %parallel_loop3A_135 = arith.muli %parallel_loop3A_133, %parallel_loop3A_134 : i32
            %parallel_loop3A_136 = arith.constant 1024 : i32
            %parallel_loop3A_137 = arith.muli %parallel_loop3A_131, %parallel_loop3A_136 : i32
            %parallel_loop3A_138 = arith.constant 128 : i32
            %parallel_loop3A_139 = arith.muli %scan3A_117, %parallel_loop3A_138 : i32
            %parallel_loop3A_140 = arith.addi %parallel_loop3A_137, %parallel_loop3A_139 : i32
            %parallel_loop3A_141 = arith.addi %parallel_loop3A_140, %parallel_loop3A_135 : i32
            %parallel_loop3A_142 = arith.constant 2048 : i32
            %parallel_loop3A_143 = arith.muli %scan3A_117, %parallel_loop3A_142 : i32
            %parallel_loop3A_144 = arith.constant 256 : i32
            %parallel_loop3A_145 = arith.muli %parallel_loop3A_131, %parallel_loop3A_144 : i32
            %parallel_loop3A_146 = arith.addi %parallel_loop3A_143, %parallel_loop3A_145 : i32
            %parallel_loop3A_147 = arith.addi %parallel_loop3A_146, %parallel_loop3A_135 : i32
            %parallel_loop3A_148 = arith.index_cast %parallel_loop3A_141 : i32 to index
            %parallel_loop3A_149 = tpu.vector_load %arg8[%parallel_loop3A_148] {strides = array<i32>} : memref<8192xi32, #tpu.memory_space<vmem>>, vector<16xi32>,
            %parallel_loop3A_150 = tpu.vector_load_idx %arg6[%parallel_loop3A_149] : memref<16xf32, #tpu.memory_space<vmem>>[vector<16xi32>], vector<16xf32>,
            %parallel_loop3A_151 = tpu.vector_load_idx %arg7[%parallel_loop3A_149] : memref<16xf32, #tpu.memory_space<vmem>>[vector<16xi32>], vector<16xf32>,
            %parallel_loop3A_152 = arith.index_cast %parallel_loop3A_147 : i32 to index
            %parallel_loop3A_153 = tpu.vector_load %arg10[%parallel_loop3A_152] {strides = array<i32>} : memref<16384xf32, #tpu.memory_space<vmem>>, vector<16xf32>,
            tpu.vector_store %arg10[%parallel_loop3A_152], %parallel_loop3A_150 {strides = array<i32>} : memref<16384xf32, #tpu.memory_space<vmem>>, vector<16xf32>,
            %parallel_loop3A_154 = arith.constant 128 : i32
            %parallel_loop3A_155 = arith.addi %parallel_loop3A_147, %parallel_loop3A_154 : i32
            %parallel_loop3A_156 = arith.index_cast %parallel_loop3A_155 : i32 to index
            %parallel_loop3A_157 = tpu.vector_load %arg10[%parallel_loop3A_156] {strides = array<i32>} : memref<16384xf32, #tpu.memory_space<vmem>>, vector<16xf32>,
            tpu.vector_store %arg10[%parallel_loop3A_156], %parallel_loop3A_151 {strides = array<i32>} : memref<16384xf32, #tpu.memory_space<vmem>>, vector<16xf32>,
          } {sc.loop_unroll_factor = 8 : i64, sc.parallel_access}
          %mul3A_120 = arith.constant 2048 : i32
          %mul3A_121 = arith.muli %scan3A_117, %mul3A_120 : i32
          %mul3A_122 = arith.constant 32768 : i32
          %mul3A_123 = arith.muli %scan3A_117, %mul3A_122 : i32
          %add3A_124 = arith.addi %add3A_96, %mul3A_123 : i32
          %dma_start3A_125 = tpu.memref_slice %arg10[%mul3A_121] : memref<16384xf32, #tpu.memory_space<vmem>> -> memref<2048xf32, #tpu.memory_space<vmem>>
          %dma_start3A_126 = tpu.memref_slice %arg4[%add3A_124] : memref<6553600xf32, #tpu.memory_space<hbm>> -> memref<2048xf32, #tpu.memory_space<hbm>>
          %dma_start3A_127 = tpu.memref_slice %arg4[%add3A_124] : memref<6553600xf32, #tpu.memory_space<hbm>> -> memref<2048xf32, #tpu.memory_space<hbm>>
          %dma_start3A_128 = tpu.memref_slice %arg10[%mul3A_121] : memref<16384xf32, #tpu.memory_space<vmem>> -> memref<2048xf32, #tpu.memory_space<vmem>>
          tpu.enqueue_dma source(%dma_start3A_128 : memref<2048xf32, #tpu.memory_space<vmem>>) target(%dma_start3A_127 : memref<2048xf32, #tpu.memory_space<hbm>>) target_semaphore(%arg14 : memref<!tpu.dma_semaphore, #tpu.memory_space<semaphore_mem>>)
        }
        %scan3A_116 = arith.constant 8 : i32
      } else {
      }
      %mul3A_48 = arith.constant 2 : i32
      %mul3A_49 = arith.muli %scan3A_41, %mul3A_48 : i32
      %add3A_50 = arith.constant 1 : i32
      %add3A_51 = arith.addi %mul3A_49, %add3A_50 : i32
      %lt3A_52 = arith.cmpi slt, %add3A_51, %add3A_4 : i32
      %convert_element_type3A_53 = arith.extui %lt3A_52 : i1 to i32
      %cond3A_54 = arith.constant 0 : i32
      %cond3A_55 = arith.cmpi ne, %convert_element_type3A_53, %cond3A_54 : i32
      scf.if %cond3A_55 {
        %add3A_56 = arith.addi %add3A_8, %add3A_51 : i32
        %jit3A_57 = arith.constant 16 : i32
        %div3A = arith.divsi %add3A_56, %jit3A_57 : i32
        %sign3A = arith.constant 0 : i32
        %sign3A_58 = arith.cmpi sgt, %add3A_56, %sign3A : i32
        %sign3A_59 = arith.extui %sign3A_58 : i1 to i32
        %sign3A_60 = arith.constant 0 : i32
        %sign3A_61 = arith.cmpi slt, %add3A_56, %sign3A_60 : i32
        %sign3A_62 = arith.extui %sign3A_61 : i1 to i32
        %sign3A_63 = arith.subi %sign3A_59, %sign3A_62 : i32
        %sign3A_64 = arith.constant 0 : i32
        %sign3A_65 = arith.cmpi sgt, %jit3A_57, %sign3A_64 : i32
        %sign3A_66 = arith.extui %sign3A_65 : i1 to i32
        %sign3A_67 = arith.constant 0 : i32
        %sign3A_68 = arith.cmpi slt, %jit3A_57, %sign3A_67 : i32
        %sign3A_69 = arith.extui %sign3A_68 : i1 to i32
        %sign3A_70 = arith.subi %sign3A_66, %sign3A_69 : i32
        %ne3A = arith.cmpi ne, %sign3A_63, %sign3A_70 : i32
        %rem3A = arith.remsi %add3A_56, %jit3A_57 : i32
        %ne3A_71 = arith.constant 0 : i32
        %ne3A_72 = arith.cmpi ne, %rem3A, %ne3A_71 : i32
        %and3A = arith.andi %ne3A, %ne3A_72 : i1
        %sub3A = arith.constant 1 : i32
        %sub3A_73 = arith.subi %div3A, %sub3A : i32
        %select_n3A_74 = arith.select %and3A, %sub3A_73, %div3A : i32
        %jit3A_75 = arith.constant 16 : i32
        %eq3A = arith.constant 0 : i32
        %eq3A_76 = arith.cmpi eq, %jit3A_75, %eq3A : i32
        %jit3A_77 = arith.constant 1 : i32
        %select_n3A_78 = arith.select %eq3A_76, %jit3A_77, %jit3A_75 : i32
        %rem3A_79 = arith.remsi %add3A_56, %select_n3A_78 : i32
        %ne3A_80 = arith.constant 0 : i32
        %ne3A_81 = arith.cmpi ne, %rem3A_79, %ne3A_80 : i32
        %lt3A_82 = arith.constant 0 : i32
        %lt3A_83 = arith.cmpi slt, %rem3A_79, %lt3A_82 : i32
        %lt3A_84 = arith.constant 0 : i32
        %lt3A_85 = arith.cmpi slt, %select_n3A_78, %lt3A_84 : i32
        %ne3A_86 = arith.xori %lt3A_83, %lt3A_85 : i1
        %and3A_87 = arith.andi %ne3A_86, %ne3A_81 : i1
        %add3A_88 = arith.addi %rem3A_79, %select_n3A_78 : i32
        %select_n3A_89 = arith.select %and3A_87, %add3A_88, %rem3A_79 : i32
        %mul3A_90 = arith.constant 8 : i32
        %mul3A_91 = arith.muli %select_n3A_74, %mul3A_90 : i32
        %mul3A_92 = arith.constant 32768 : i32
        %mul3A_93 = arith.muli %mul3A_91, %mul3A_92 : i32
        %mul3A_94 = arith.constant 2048 : i32
        %mul3A_95 = arith.muli %select_n3A_89, %mul3A_94 : i32
        %add3A_96 = arith.addi %mul3A_93, %mul3A_95 : i32
        %add3A_97 = arith.constant 1 : i32
        %add3A_98 = arith.addi %add3A_51, %add3A_97 : i32
        %lt3A_99 = arith.cmpi slt, %add3A_98, %add3A_4 : i32
        %convert_element_type3A_100 = arith.extui %lt3A_99 : i1 to i32
        %cond3A_101 = arith.constant 0 : i32
        %cond3A_102 = arith.cmpi ne, %convert_element_type3A_100, %cond3A_101 : i32
        scf.if %cond3A_102 {
          %add3A_117 = arith.constant 1 : i32
          %add3A_118 = arith.addi %add3A_51, %add3A_117 : i32
          %add3A_119 = arith.addi %add3A_8, %add3A_118 : i32
          %mul3A_120 = arith.constant 8192 : i32
          %mul3A_121 = arith.muli %add3A_119, %mul3A_120 : i32
          %dma_start3A_122 = tpu.memref_slice %arg2[%mul3A_121] : memref<3276800xi32, #tpu.memory_space<hbm>> -> memref<8192xi32, #tpu.memory_space<hbm>>
          %dma_start3A_123 = tpu.memref_slice %arg2[%mul3A_121] : memref<3276800xi32, #tpu.memory_space<hbm>> -> memref<8192xi32, #tpu.memory_space<hbm>>
          tpu.enqueue_dma source(%dma_start3A_123 : memref<8192xi32, #tpu.memory_space<hbm>>) target(%arg8 : memref<8192xi32, #tpu.memory_space<vmem>>) target_semaphore(%arg12 : memref<!tpu.dma_semaphore, #tpu.memory_space<semaphore_mem>>)
        } else {
        }
        %dma_wait3A_103 = arith.constant 0 : i32
        %dma_wait3A_104 = tpu.memref_slice %arg2[%dma_wait3A_103] : memref<3276800xi32, #tpu.memory_space<hbm>> -> memref<8192xi32, #tpu.memory_space<hbm>>
        %dma_wait3A_105 = arith.constant 0 : i32
        %dma_wait3A_106 = tpu.memref_slice %arg2[%dma_wait3A_105] : memref<3276800xi32, #tpu.memory_space<hbm>> -> memref<8192xi32, #tpu.memory_space<hbm>>
        tpu.wait_dma2 semaphore(%arg13 : memref<!tpu.dma_semaphore, #tpu.memory_space<semaphore_mem>>) src(%dma_wait3A_106 : memref<8192xi32, #tpu.memory_space<hbm>>) dst(%arg9 : memref<8192xi32, #tpu.memory_space<vmem>>)
        %ge3A = arith.constant 2 : i32
        %ge3A_107 = arith.cmpi sge, %add3A_51, %ge3A : i32
        %convert_element_type3A_108 = arith.extui %ge3A_107 : i1 to i32
        %cond3A_109 = arith.constant 0 : i32
        %cond3A_110 = arith.cmpi ne, %convert_element_type3A_108, %cond3A_109 : i32
        scf.if %cond3A_110 {
          %dma_wait3A_117 = arith.constant 0 : i32
          %dma_wait3A_118 = tpu.memref_slice %arg4[%dma_wait3A_117] : memref<6553600xf32, #tpu.memory_space<hbm>> -> memref<16384xf32, #tpu.memory_space<hbm>>
          %dma_wait3A_119 = arith.constant 0 : i32
          %dma_wait3A_120 = tpu.memref_slice %arg4[%dma_wait3A_119] : memref<6553600xf32, #tpu.memory_space<hbm>> -> memref<16384xf32, #tpu.memory_space<hbm>>
          tpu.wait_dma2 semaphore(%arg15 : memref<!tpu.dma_semaphore, #tpu.memory_space<semaphore_mem>>) src(%dma_wait3A_120 : memref<16384xf32, #tpu.memory_space<hbm>>) dst(%arg11 : memref<16384xf32, #tpu.memory_space<vmem>>)
        } else {
        }
        %scan3A_111 = arith.constant 0 : i32
        %scan3A_112 = arith.constant 0 : i32
        %scan3A_113 = arith.constant 8 : i32
        %scan3A_114 = arith.addi %scan3A_112, %scan3A_113 : i32
        %scan3A_115 = arith.constant 1 : i32
        scf.for %scan3A_117 = %scan3A_112 to %scan3A_114 step %scan3A_115  : i32 {
          %parallel_loop3A = arith.constant 0 : i32
          %parallel_loop3A_118 = arith.constant 64 : i32
          %parallel_loop3A_119 = arith.constant 1 : i32
          scf.for %parallel_loop3A_129 = %parallel_loop3A to %parallel_loop3A_118 step %parallel_loop3A_119  : i32 {
            %parallel_loop3A_130 = arith.constant 3 : i32
            %parallel_loop3A_131 = arith.shrsi %parallel_loop3A_129, %parallel_loop3A_130 : i32
            %parallel_loop3A_132 = arith.constant 7 : i32
            %parallel_loop3A_133 = arith.andi %parallel_loop3A_129, %parallel_loop3A_132 : i32
            %parallel_loop3A_134 = arith.constant 16 : i32
            %parallel_loop3A_135 = arith.muli %parallel_loop3A_133, %parallel_loop3A_134 : i32
            %parallel_loop3A_136 = arith.constant 1024 : i32
            %parallel_loop3A_137 = arith.muli %parallel_loop3A_131, %parallel_loop3A_136 : i32
            %parallel_loop3A_138 = arith.constant 128 : i32
            %parallel_loop3A_139 = arith.muli %scan3A_117, %parallel_loop3A_138 : i32
            %parallel_loop3A_140 = arith.addi %parallel_loop3A_137, %parallel_loop3A_139 : i32
            %parallel_loop3A_141 = arith.addi %parallel_loop3A_140, %parallel_loop3A_135 : i32
            %parallel_loop3A_142 = arith.constant 2048 : i32
            %parallel_loop3A_143 = arith.muli %scan3A_117, %parallel_loop3A_142 : i32
            %parallel_loop3A_144 = arith.constant 256 : i32
            %parallel_loop3A_145 = arith.muli %parallel_loop3A_131, %parallel_loop3A_144 : i32
            %parallel_loop3A_146 = arith.addi %parallel_loop3A_143, %parallel_loop3A_145 : i32
            %parallel_loop3A_147 = arith.addi %parallel_loop3A_146, %parallel_loop3A_135 : i32
            %parallel_loop3A_148 = arith.index_cast %parallel_loop3A_141 : i32 to index
            %parallel_loop3A_149 = tpu.vector_load %arg9[%parallel_loop3A_148] {strides = array<i32>} : memref<8192xi32, #tpu.memory_space<vmem>>, vector<16xi32>,
            %parallel_loop3A_150 = tpu.vector_load_idx %arg6[%parallel_loop3A_149] : memref<16xf32, #tpu.memory_space<vmem>>[vector<16xi32>], vector<16xf32>,
            %parallel_loop3A_151 = tpu.vector_load_idx %arg7[%parallel_loop3A_149] : memref<16xf32, #tpu.memory_space<vmem>>[vector<16xi32>], vector<16xf32>,
            %parallel_loop3A_152 = arith.index_cast %parallel_loop3A_147 : i32 to index
            %parallel_loop3A_153 = tpu.vector_load %arg11[%parallel_loop3A_152] {strides = array<i32>} : memref<16384xf32, #tpu.memory_space<vmem>>, vector<16xf32>,
            tpu.vector_store %arg11[%parallel_loop3A_152], %parallel_loop3A_150 {strides = array<i32>} : memref<16384xf32, #tpu.memory_space<vmem>>, vector<16xf32>,
            %parallel_loop3A_154 = arith.constant 128 : i32
            %parallel_loop3A_155 = arith.addi %parallel_loop3A_147, %parallel_loop3A_154 : i32
            %parallel_loop3A_156 = arith.index_cast %parallel_loop3A_155 : i32 to index
            %parallel_loop3A_157 = tpu.vector_load %arg11[%parallel_loop3A_156] {strides = array<i32>} : memref<16384xf32, #tpu.memory_space<vmem>>, vector<16xf32>,
            tpu.vector_store %arg11[%parallel_loop3A_156], %parallel_loop3A_151 {strides = array<i32>} : memref<16384xf32, #tpu.memory_space<vmem>>, vector<16xf32>,
          } {sc.loop_unroll_factor = 8 : i64, sc.parallel_access}
          %mul3A_120 = arith.constant 2048 : i32
          %mul3A_121 = arith.muli %scan3A_117, %mul3A_120 : i32
          %mul3A_122 = arith.constant 32768 : i32
          %mul3A_123 = arith.muli %scan3A_117, %mul3A_122 : i32
          %add3A_124 = arith.addi %add3A_96, %mul3A_123 : i32
          %dma_start3A_125 = tpu.memref_slice %arg11[%mul3A_121] : memref<16384xf32, #tpu.memory_space<vmem>> -> memref<2048xf32, #tpu.memory_space<vmem>>
          %dma_start3A_126 = tpu.memref_slice %arg4[%add3A_124] : memref<6553600xf32, #tpu.memory_space<hbm>> -> memref<2048xf32, #tpu.memory_space<hbm>>
          %dma_start3A_127 = tpu.memref_slice %arg4[%add3A_124] : memref<6553600xf32, #tpu.memory_space<hbm>> -> memref<2048xf32, #tpu.memory_space<hbm>>
          %dma_start3A_128 = tpu.memref_slice %arg11[%mul3A_121] : memref<16384xf32, #tpu.memory_space<vmem>> -> memref<2048xf32, #tpu.memory_space<vmem>>
          tpu.enqueue_dma source(%dma_start3A_128 : memref<2048xf32, #tpu.memory_space<vmem>>) target(%dma_start3A_127 : memref<2048xf32, #tpu.memory_space<hbm>>) target_semaphore(%arg15 : memref<!tpu.dma_semaphore, #tpu.memory_space<semaphore_mem>>)
        }
        %scan3A_116 = arith.constant 8 : i32
      } else {
      }
    }
    %scan3A_33 = arith.constant 7 : i32
    %dma_wait3A = arith.constant 0 : i32
    %dma_wait3A_34 = tpu.memref_slice %arg4[%dma_wait3A] : memref<6553600xf32, #tpu.memory_space<hbm>> -> memref<16384xf32, #tpu.memory_space<hbm>>
    %dma_wait3A_35 = arith.constant 0 : i32
    %dma_wait3A_36 = tpu.memref_slice %arg4[%dma_wait3A_35] : memref<6553600xf32, #tpu.memory_space<hbm>> -> memref<16384xf32, #tpu.memory_space<hbm>>
    tpu.wait_dma2 semaphore(%arg14 : memref<!tpu.dma_semaphore, #tpu.memory_space<semaphore_mem>>) src(%dma_wait3A_36 : memref<16384xf32, #tpu.memory_space<hbm>>) dst(%arg10 : memref<16384xf32, #tpu.memory_space<vmem>>)
    %dma_wait3A_37 = arith.constant 0 : i32
    %dma_wait3A_38 = tpu.memref_slice %arg4[%dma_wait3A_37] : memref<6553600xf32, #tpu.memory_space<hbm>> -> memref<16384xf32, #tpu.memory_space<hbm>>
    %dma_wait3A_39 = arith.constant 0 : i32
    %dma_wait3A_40 = tpu.memref_slice %arg4[%dma_wait3A_39] : memref<6553600xf32, #tpu.memory_space<hbm>> -> memref<16384xf32, #tpu.memory_space<hbm>>
    tpu.wait_dma2 semaphore(%arg15 : memref<!tpu.dma_semaphore, #tpu.memory_space<semaphore_mem>>) src(%dma_wait3A_40 : memref<16384xf32, #tpu.memory_space<hbm>>) dst(%arg11 : memref<16384xf32, #tpu.memory_space<vmem>>)
    return
  }
}

</mosaic_0001>

<sc_bundles>
// kernel: kernel.3.cloned.1.call-start
scs
__scs_entry_jumppad:
0x0: {  	(pc) =	sbr.rel $0x88, $3  }
0x1: {  	(tag) =	ssettag $0x0;
	lr =	simm.s32 $0x1  }
0x2: {  	[smem:$0x3F9F] =	sst lr;
	_ =	strace $0xD0000000  }
0x3: {  	_ = 	snop  }
0x4: {  	_ = 	snop  }
0x5: {  	_ = 	snop  }
0x6: {  	_ = 	snop  }
0x7: {  	_ = 	snop  }
__scs_overlays_trampoline_lowered:
0x8: {  	[smem:$0x3FAE] =	sst s0  }
0x9: {  	[smem:$0x3FAF] =	sst s1  }
0xa: {  	[smem:$0x3FB0] =	sst s2  }
0xb: {  	[smem:$0x3FB1] =	sst s3  }
0xc: {  	[smem:$0x3FB2] =	sst s4  }
0xd: {  	[smem:$0x3FB3] =	sst s5  }
0xe: {  	[smem:$0x3FB4] =	sst s6  }
0xf: {  	[smem:$0x3FB5] =	sst s7  }
0x10: {  	[smem:$0x3FB6] =	sst s8  }
0x11: {  	[smem:$0x3FB7] =	sst s9;
	s0 =	simm.s32 @!p0 $0x0  }
0x12: {  	s1 =	sld [smem:$0x3F9D];
	s0 =	simm.s32 @p0 $0x1  }
0x13: {  	[smem:$0x3FB8] =	sst s0;
	s0 =	simm.s32 @!p1 $0x0  }
0x14: {  	s2 =	sld [smem:$0x3F9C];
	s0 =	simm.s32 @p1 $0x1  }
0x15: {  	[smem:$0x3FB9] =	sst s0;
	s0 =	simm.s32 @!p2 $0x0  }
0x16: {  	s3 =	sld [smem:$0x3FDB];
	s0 =	simm.s32 @p2 $0x1  }
0x17: {  	s4 =	simm.s32 $0x1BF5;
	[smem:$0x3FBB] =	sst s0  }
0x18: {  	s0 =	sld [smem:$0x3F9E];
	_ =	swait.ge [sflag:s4], $0x0  }
0x19: {  	s7 =	sld [smem:$0x3F9F]  }
0x1a: {  	s8 =	sadd.s32 $0xFFFFE003, lr  }
0x1b: {  	s9 =	sadd.s32 $0xFFFFFEF7, lr;
	s5 =	simm.s32 $0xFFFFFFFF;
	p2 =	slt.u32 s8, $0xFFFFF086  }
0x1c: {  	p1 =	slt.u32 s9, $0xF7A;
	s5 =	simm.s32 @!p2 $0x0  }
0x1d: {  	s5 =	simm.s32 @p1 $0x1;
	p0 =	seq.s32 s7, s2  }
0x1e: {  	s7 =	smul.u32 @!p0 $0xF7A, s2;
	p2 =	seq.s32 @!p0 s5, $0x0  }
0x1f: {  	s9 =	smul.u32 $0xF7A, s1;
	s8 =	simm.s32 @!p0 $0x1BF5;
	p2 =	por !p2, p0  }
0x20: {  	[sflag:s8] =	ssyncset.s32 @!p0 $0xFFFFF086;
	s6 =	sadd.s32 @!p0 s3, s7;
	s7 =	simm.s32 @!p0 $0x108  }
0x21: {  	s3 =	sadd.s32 s3, s9;
	s6 =	sadd.s32 @!p0 $0x88, s6;
	s7 =	simm.s32 @p2 $0x1082  }
0x22: {  	[simem:s7], [sflag:s8] =	dma.local @!p0 [hbm:s6], $0xF7A  }
0x23: {  	s9 =	sor.u32 $0xD0000000, s2;
	s6 =	simm.s32 $0x108;
	_ =	swait.ge @!p0 [sflag:s8], $0x0  }
0x24: {  	s3 =	sadd.s32 $0x88, s3;
	s6 =	simm.s32 @!p1 $0x1082;
	[sflag:s4] =	ssyncset.s32 $0xFFFFF086  }
0x25: {  	[simem:s6], [sflag:s4] =	dma.local [hbm:s3], $0xF7A  }
0x26: {  	[smem:$0x3F9F] =	sst s1;
	(tag) =	ssettag s2;
	_ =	strace s9  }
0x27: {  	s1 =	sld [smem:$0x3FAF]  }
0x28: {  	s2 =	sld [smem:$0x3FB0]  }
0x29: {  	s4 =	sld [smem:$0x3FB2]  }
0x2a: {  	p0 =	seq.s32 s5, $0x0;
	s5 =	sld [smem:$0x3FB3]  }
0x2b: {  	s6 =	sld [smem:$0x3FB4]  }
0x2c: {  	s7 =	sld [smem:$0x3FB5]  }
0x2d: {  	s3 =	simm.s32 $0x108;
	s8 =	sld [smem:$0x3FB6]  }
0x2e: {  	s3 =	simm.s32 @!p0 $0x1082;
	s9 =	sld [smem:$0x3FB7]  }
0x2f: {  	lr =	sadd.s32 s0, s3;
	s0 =	sld [smem:$0x3FAE]  }
0x30: {  	s3 =	sld [smem:$0x3FB1]  }
0x31: {  	[smem:$0x3FBA] =	sst s10  }
0x32: {  	s10 =	sld [smem:$0x3FB8];
	_ =	sdelay $0x3  }
0x33: {  	p0 =	seq.s32 s10, $0x1;
	s10 =	sld [smem:$0x3FBA];
	_ =	sdelay $0x3  }
0x34: {  	[smem:$0x3FBA] =	sst s10  }
0x35: {  	s10 =	sld [smem:$0x3FB9];
	_ =	sdelay $0x3  }
0x36: {  	p1 =	seq.s32 s10, $0x1;
	s10 =	sld [smem:$0x3FBA];
	_ =	sdelay $0x3  }
0x37: {  	[smem:$0x3FBA] =	sst s10  }
0x38: {  	s10 =	sld [smem:$0x3FBB]  }
0x39: {  	_ = 	snop;
	(pc) =	sbr.ind lr, $3  }
0x3a: {  	_ = 	snop  }
0x3b: {  	_ = 	snop  }
0x3c: {  	p2 =	seq.s32 s10, $0x1;
	s10 =	sld [smem:$0x3FBA]  }
0x3d: {  	_ =	shalt  }
0x3e: {  	_ =	shalt  }
0x3f: {  	_ =	shalt  }
0x40: {  	_ =	shalt  }
0x41: {  	_ =	shalt  }
0x42: {  	_ =	shalt  }
0x43: {  	_ =	shalt  }
0x44: {  	_ =	shalt  }
0x45: {  	_ =	shalt  }
0x46: {  	_ =	shalt  }
0x47: {  	_ =	shalt  }
0x48: {  	_ =	shalt  }
0x49: {  	_ =	shalt  }
0x4a: {  	_ =	shalt  }
0x4b: {  	_ =	shalt  }
0x4c: {  	_ =	shalt  }
0x4d: {  	_ =	shalt  }
0x4e: {  	_ =	shalt  }
0x4f: {  	_ =	shalt  }
0x50: {  	_ =	shalt  }
0x51: {  	_ =	shalt  }
0x52: {  	_ =	shalt  }
0x53: {  	_ =	shalt  }
0x54: {  	_ =	shalt  }
0x55: {  	_ =	shalt  }
0x56: {  	_ =	shalt  }
0x57: {  	_ =	shalt  }
0x58: {  	_ =	shalt  }
0x59: {  	_ =	shalt  }
0x5a: {  	_ =	shalt  }
0x5b: {  	_ =	shalt  }
0x5c: {  	_ =	shalt  }
0x5d: {  	_ =	shalt  }
0x5e: {  	_ =	shalt  }
0x5f: {  	_ =	shalt  }
0x60: {  	_ =	shalt  }
0x61: {  	_ =	shalt  }
0x62: {  	_ =	shalt  }
0x63: {  	_ =	shalt  }
0x64: {  	_ =	shalt  }
0x65: {  	_ =	shalt  }
0x66: {  	_ =	shalt  }
0x67: {  	_ =	shalt  }
0x68: {  	_ =	shalt  }
0x69: {  	_ =	shalt  }
0x6a: {  	_ =	shalt  }
0x6b: {  	_ =	shalt  }
0x6c: {  	_ =	shalt  }
0x6d: {  	_ =	shalt  }
0x6e: {  	_ =	shalt  }
0x6f: {  	_ =	shalt  }
0x70: {  	_ =	shalt  }
0x71: {  	_ =	shalt  }
0x72: {  	_ =	shalt  }
0x73: {  	_ =	shalt  }
0x74: {  	_ =	shalt  }
0x75: {  	_ =	shalt  }
0x76: {  	_ =	shalt  }
0x77: {  	_ =	shalt  }
0x78: {  	_ =	shalt  }
0x79: {  	_ =	shalt  }
0x7a: {  	_ =	shalt  }
0x7b: {  	_ =	shalt  }
0x7c: {  	_ =	shalt  }
0x7d: {  	_ =	shalt  }
0x7e: {  	_ =	shalt  }
0x7f: {  	_ =	shalt  }
0x80: {  	_ =	shalt  }
0x81: {  	_ =	shalt  }
0x82: {  	_ =	shalt  }
0x83: {  	_ =	shalt  }
0x84: {  	_ =	shalt  }
0x85: {  	_ =	shalt  }
0x86: {  	_ =	shalt  }
0x87: {  	_ =	shalt  }
.Lfunc_end0:
.L_simem_size_0:
called_computation_lowered:
.L_overlay_start_0:
0x88: {  	s2 =	sld [smem:$0x3FD9]  }
0x89: {  	s3 =	sld [smem:$0x3FFE];
	_ =	sdelay $0x1  }
0x8a: {  	s1 =	srdreg.scid  }
0x8b: {  	s0 =	sand.u32 $0x1, s1  }
0x8c: {  	s17 =	sshll.u32 s0, $0xA;
	s2 =	sadd.s32 s3, s2  }
0x8d: {  	s2 =	sadd.s32 s2, s17  }
0x8e: {  	[smem:$0x3FC6] =	sst s2  }
0x8f: {  	_ = 	snop  }
0x90: {  	s2 =	sld [smem:$0x3FC9]  }
0x91: {  	s18 =	sld [smem:$0x3FD0];
	(tm) =	ssettm $0x1  }
0x92: {  	s4 =	sld [smem:$0x3FFB];
	_ =	sdelay $0x3  }
0x93: {  	_ =	strace s4  }
0x94: {  	s4 =	sld [smem:$0x3FFC];
	_ =	sdelay $0x3  }
0x95: {  	_ =	strace s4  }
0x96: {  	s4 =	sld [smem:$0x3FFD];
	_ =	sdelay $0x3  }
0x97: {  	_ =	strace s4  }
0x98: {  	_ =	strace $0x8FFFFFFF  }
0x99: {  	s19 =	sld [smem:$0x3FDB];
	_ =	sdelay $0x1  }
0x9a: {  	s5 =	simm.s32 $_scs_section_size  }
0x9b: {  	s6 =	simm.s32 $_size__tile_overlayer_lowered;
	s7 =	simm.s32 $_tile_overlayer_lowered  }
0x9c: {  	s22 =	simm.s32 $0x1BFF;
	s21 =	sshll.u32 s7, $0x1;
	s4 =	sadd.s32 s5, s19  }
0x9d: {  	s8 =	simm.s32 $0x0;
	s20 =	sshll.u32 s6, $0x1;
	s6 =	sadd.s32 s21, s4  }
0x9e: {  	[timem:s8], [sflag:s22] =	dma.local [hbm:s6], s20  }
0x9f: {  	_ =	swait.ge [sflag:s22], s20  }
0xa0: {  	s5 =	ssub.s32 $0x0, s20;
	[sflag:s22] =	ssyncset.done $0x0  }
0xa1: {  	[sflag:s22] =	ssyncadd.s32 s5;
	_ =	sdelay $0x1  }
0xa2: {  	s23 =	simm.s32 $0x1B8B  }
0xa3: {  	_ =	swait.ge [sflag:s23], $0x1  }
0xa4: {  	[sflag:s23] =	ssyncset.done $0x0  }
0xa5: {  	s25 =	simm.s32 $0x1B8E;
	s24 =	sld [smem:$0x3FFE];
	[sflag:s23] =	ssyncadd.s32 $0xFFFFFFFF  }
0xa6: {  	s26 =	simm.s32 $execute0_lowered;
	[smem:$0x3FD2] =	sst s25  }
0xa7: {  	s6 =	sshll.u32 s26, $0x1;
	_ =	strace $0x80000046;
	[dreg:$0x1] =	wrdreg $0xFFFFFFFF  }
0xa8: {  	s28 =	simm.s32 $_size_execute0_lowered;
	s4 =	sadd.s32 s4, s6;
	[dreg:$0x0] =	wrdreg $0x0  }
0xa9: {  	s6 =	sshll.u32 s28, $0x1;
	[dreg:$0x2] =	wrdreg s4  }
0xaa: {  	[dreg:$0x3] =	wrdreg s6  }
0xab: {  	[dreg:$0x4] =	wrdreg $0xC0  }
0xac: {  	_ =	task [dreg:s8], $0x5FFFF  }
0xad: {  	[dreg:$0x1] =	wrdreg $0xFFFFFFFF  }
0xae: {  	[dreg:$0x0] =	wrdreg $0x60  }
0xaf: {  	[dreg:$0x2] =	wrdreg s2  }
0xb0: {  	[dreg:$0x3] =	wrdreg s24  }
0xb1: {  	[dreg:$0x4] =	wrdreg s18  }
0xb2: {  	[dreg:$0x5] =	wrdreg $0x9  }
0xb3: {  	_ =	task.clear_ibuf [dreg:s8], $0x6FFFF;
	_ =	strace $0x90000046  }
0xb4: {  	s29 =	simm.s32 $0x9;
	_ =	strace $0x80000048  }
0xb5: {  	_ =	swait.ge [sflag:s29], $0x1  }
0xb6: {  	[sflag:s29] =	ssyncadd.s32 $0xFFFFFFFF  }
0xb7: {  	_ =	strace $0x90000048  }
0xb8: {  	_ =	sfence  }
0xb9: {  	s30 =	sld [smem:$0x0];
	_ =	sdelay $0x2  }
0xba: {  	s31 =	sshll.u32 s1, $0xD;
	s1 =	sshrl.u32 s1, $0x2  }
0xbb: {  	s3 =	sand.u32 $0x4000, s31;
	s1 =	sadd.s32 s1, s30  }
0xbc: {  	s0 =	sor.u32 s3, s0;
	s1 =	sshll.u32 s1, $0x11  }
0xbd: {  	s0 =	sor.u32 s1, s0  }
0xbe: {  	s0 =	sadd.s32 $0x8F2B, s0  }
0xbf: {  	[sflag:s0] =	ssyncadd.remote.s32 $0x1  }
0xc0: {  	_ =	sfence.sel $0xFFFF  }
0xc1: {  	[dreg:$0x0] =	wrdreg $0xFFFFFFFF;
	(pc) =	sbr.abs _section_cstart, $3  }
0xc2: {  	[dreg:$0x1] =	wrdreg $0xFFFFFFFF  }
0xc3: {  	_ =	task.clear_ibuf [dreg:s8], $0x2FFFF;
	_ =	strace $0x9FFFFFFF  }
0xc4: {  	(tm) =	ssettm $0x7FFFFFFF  }
0xc5: {  	_ =	shalt  }
tec
execute0_lowered:
.L_overlay_start_1:
0x0: {  	(tag) =	ssettag $0x1  }
0x1: {  	s1 =	rddreg [dreg:$0x0]  }
0x2: {  	s5 =	rddreg [dreg:$0x1];
	s2 =	srdreg.scid  }
0x3: {  	s0 =	stileid.u32;
	s3 =	rddreg [dreg:$0x2]  }
0x4: {  	s4 =	simm.s32 $0x0;
	s10 =	simm.s32 $0x5;
	s11 =	simm.s32 $0x180  }
0x5: {  	s12 =	simm.s32 $0x1;
	s13 =	simm.s32 $0x80;
	s14 =	simm.s32 $0x100  }
0x6: {  	v0 =	vimm.s32 $0xECA86420;
	v1 =	vimm.s32 $0xFDB97531;
	s15 =	simm.s32 $0x2;
	s6 =	sand.u32 $0x1, s2;
	s7 =	sshll.u32 s0, $0x1  }
0x7: {  	s16 =	simm.s32 $0x3;
	s17 =	simm.s32 $0x4;
	v0 =	vunpack.c.l.s4.s8 v0;
	v1 =	vunpack.c.l.s4.s8 v1;
	s7 =	sor.u32 s6, s7  }
0x8: {  	s18 =	simm.s32 $0x0;
	s2 =	rddreg [dreg:$0x3];
	s8 =	smul.u32 $0xC, s7  }
.Ltmp0:
0x9: {  	v2 =	vimm.s32 $0x1210;
	[smem:$0x7FF] =	sst s4;
	s6 =	ssub.s32 $0x2, s6;
	v0 =	vunpack.c.0.s8.s32 v0;
	v1 =	vunpack.c.0.s8.s32 v1;
	(pc) =	sbr.rel .LBB2_1-.Ltmp0, $4  }
0xa: {  	vm0 =	vcmask $0x1F00;
	v3 =	vimm.s32 $0x1011311;
	s5 =	sadd.s32 $0x400, s5;
	v2 =	vunpack.c.0.s8.s32 v2;
	s9 =	sshrl.u32 s6, $0x1;
	s7 =	smin.u32 s7, $0x10  }
0xb: {  	p0 =	slt.u32 s0, $0x8;
	v3 =	vunpack.c.0.s8.s32 v3;
	s9 =	ssub.s32 s6, s9;
	s6 =	sadd.s32 s7, s8;
	v0 =	vand.u32 $0xF, v0;
	v1 =	vand.u32 $0xF, v1  }
0xc: {  	vm15 =	vcmask $0x2F20;
	_ =	strace $0x80000047;
	s7 =	simm.s32 $0xD;
	s8 =	sshll.u32 s6, $0xA;
	v0 =	vnsel vm0, $0x0, v0;
	v1 =	vnsel vm0, $0x1, v1  }
0xd: {  	s9 =	smax.u32 s9, $0x1;
	s7 =	simm.s32 @!p0 $0xC;
	s8 =	sadd.s32 s1, s8;
	v0 =	vsel vm15, v2, v0;
	v1 =	vsel vm15, v3, v1  }
.LBB2_13:
0xe: {  	s18 =	sadd.s32 $0x1, s18  }
0xf: {  	_ =	swait.ge [sflag:s16], $0x4000;
	p0 =	sne.s32 s18, s9  }
.Ltmp1:
0x10: {  	[sflag:s16] =	ssyncset.done $0x0;
	(pc) =	sbr.rel @!p0 .LBB2_14-.Ltmp1, $4  }
0x11: {  	[sflag:s16] =	ssyncadd.s32 $0xFFFFC000  }
0x12: {  	_ =	swait.ge [sflag:s17], $0x4000  }
0x13: {  	[sflag:s17] =	ssyncset.done $0x0  }
0x14: {  	[sflag:s17] =	ssyncadd.s32 $0xFFFFC000  }
.LBB2_1:
0x15: {  	[tilespmem:s4], [sflag:$0x5] =	stream.linear.gather [hbm4b:s5+s4], $0x80, $0x38;
	[tilespmem:$0xC180] =	vst v63  }
0x16: {  	_ =	swait.ge [sflag:s10], $0x80  }
0x17: {  	[sflag:s10] =	ssyncset.done $0x0  }
0x18: {  	[sflag:s10] =	ssyncadd.s32 $0xFFFFFF80  }
0x19: {  	v2 =	vld.idx.msk [tilespmem:v0+s4+$0x0], $0x3ff;
	_ =	sdelay $0x4  }
0x1a: {  	[tilespmem:$0x80] =	vst v2  }
0x1b: {  	v2 =	vld.idx.msk [tilespmem:v1+s4+$0x0], $0x3ff;
	_ =	sdelay $0x1  }
.Ltmp2:
0x1c: {  	_ = 	snop;
	(pc) =	sbr.rel .LBB2_2-.Ltmp2, $3  }
0x1d: {  	_ =	sdelay $0x1  }
0x1e: {  	s19 =	simm.s32 $0x0;
	[tilespmem:$0x100] =	vst v2  }
0x1f: {  	[tilespmem:s11], [sflag:$0x1] =	stream.linear.gather [hbm4b:s8+s4], $0x2000, $0x38;
	[tilespmem:$0xC180] =	vst v63  }
.LBB2_12:
0x20: {  	s19 =	sadd.s32 $0x1, s19  }
0x21: {  	p0 =	sne.s32 s19, $0x7  }
.Ltmp3:
0x22: {  	_ = 	snop;
	(pc) =	sbr.rel @!p0 .LBB2_13-.Ltmp3, $1  }
0x23: {  	_ =	sdelay $0x3  }
.LBB2_2:
0x24: {  	s21 =	sshll.u32 s19, $0x1  }
0x25: {  	p0 =	slt.u32 s21, s7  }
.Ltmp4:
0x26: {  	_ = 	snop;
	(pc) =	sbr.rel @!p0 .LBB2_7-.Ltmp4, $2  }
0x27: {  	_ =	sdelay $0x2  }
0x28: {  	s20 =	sor.u32 $0x1, s21  }
0x29: {  	p0 =	sge.u32 s20, s7  }
0x2a: {  	s22 =	sadd.s32 @!p0 s6, s20  }
0x2b: {  	s22 =	sshll.u32 @!p0 s22, $0xA  }
0x2c: {  	s22 =	sand.u32 @!p0 $0x1FFFFC00, s22  }
0x2d: {  	s23 =	simm.s32 @!p0 $0x0;
	s24 =	simm.s32 @!p0 $0x2180;
	s22 =	sadd.s32 @!p0 s1, s22  }
0x2e: {  	[tilespmem:s24], [sflag:$0x2] =	stream.linear.gather @!p0 [hbm4b:s22+s23], $0x2000, $0x38;
	[tilespmem:$0xC180] =	vst v63  }
0x2f: {  	s30 =	sadd.s32 s6, s21;
	s25 =	simm.s32 $0x4200;
	_ =	swait.ge [sflag:s12], $0x2000  }
0x30: {  	s31 =	sshll.u32 s30, $0xB;
	p0 =	seq.s32 s19, $0x0;
	[sflag:s12] =	ssyncset.done $0x0  }
0x31: {  	s22 =	sshll.u32 s30, $0x8;
	s24 =	simm.s32 @!p0 $0x3;
	[sflag:s12] =	ssyncadd.s32 $0xFFFFE000  }
0x32: {  	s23 =	sand.u32 $0xFFF8000, s31;
	s22 =	sand.u32 $0xF00, s22;
	_ =	swait.ge @!p0 [sflag:s24], $0x4000  }
0x33: {  	s22 =	sor.u32 s22, s23;
	s23 =	simm.s32 $0x0;
	[sflag:s24] =	ssyncset.done @!p0 $0x0  }
0x34: {  	s22 =	sadd.s32 s3, s22;
	[sflag:s24] =	ssyncadd.s32 @!p0 $0xFFFFC000;
	s24 =	simm.s32 $0x1C0  }
.LBB2_4:
0x35: {  	v2 =	vld [tilespmem:s24+$0x30]  }
0x36: {  	v3 =	vld [tilespmem:s24+$0xFFFFFFD0]  }
0x37: {  	v4 =	vld [tilespmem:s24+$0xFFFFFFE0]  }
0x38: {  	v5 =	vld [tilespmem:s24+$0xFFFFFFF0]  }
0x39: {  	v6 =	vld [tilespmem:s24+$0x0]  }
0x3a: {  	v7 =	vld [tilespmem:s24+$0x10]  }
0x3b: {  	v8 =	vld [tilespmem:s24+$0x20]  }
0x3c: {  	v9 =	vld [tilespmem:s24+$0xFFFFFFC0]  }
0x3d: {  	v10 =	vld.idx.msk [tilespmem:v2+s14+$0x0], $0xffff  }
0x3e: {  	v11 =	vld.idx.msk [tilespmem:v3+s13+$0x0], $0xffff  }
0x3f: {  	v3 =	vld.idx.msk [tilespmem:v3+s14+$0x0], $0xffff  }
0x40: {  	v12 =	vld.idx.msk [tilespmem:v4+s13+$0x0], $0xffff  }
0x41: {  	v4 =	vld.idx.msk [tilespmem:v4+s14+$0x0], $0xffff  }
0x42: {  	v13 =	vld.idx.msk [tilespmem:v2+s13+$0x0], $0xffff  }
0x43: {  	v2 =	vld.idx.msk [tilespmem:v5+s13+$0x0], $0xffff;
	[tilespmem:s25+$0x70] =	vst v10  }
0x44: {  	v62 =	vld.idx.msk [tilespmem:v9+s13+$0x0], $0xffff;
	[tilespmem:s25+$0xFFFFFF90] =	vst v11  }
0x45: {  	v9 =	vld.idx.msk [tilespmem:v9+s14+$0x0], $0xffff;
	[tilespmem:s25+$0x10] =	vst v3  }
0x46: {  	v63 =	vld.idx.msk [tilespmem:v5+s14+$0x0], $0xffff;
	[tilespmem:s25+$0xFFFFFFA0] =	vst v12  }
0x47: {  	v5 =	vld.idx.msk [tilespmem:v7+s14+$0x0], $0xffff;
	[tilespmem:s25+$0x20] =	vst v4  }
0x48: {  	v3 =	vld.idx.msk [tilespmem:v6+s13+$0x0], $0xffff;
	[tilespmem:s25+$0xFFFFFFB0] =	vst v2  }
0x49: {  	v4 =	vld.idx.msk [tilespmem:v6+s14+$0x0], $0xffff;
	[tilespmem:s25+$0xFFFFFFF0] =	vst v13  }
0x4a: {  	s26 =	sshll.u32 s23, $0xB;
	v2 =	vld.idx.msk [tilespmem:v7+s13+$0x0], $0xffff;
	[tilespmem:s25+$0xFFFFFF80] =	vst v62  }
0x4b: {  	s29 =	simm.s32 $0x0;
	s26 =	sand.u32 $0x3FFFF800, s26;
	[tilespmem:s25+$0x0] =	vst v9;
	v6 =	vld.idx.msk [tilespmem:v8+s13+$0x0], $0xffff  }
0x4c: {  	s30 =	sadd.s32 $0x400, s24;
	s28 =	smov.u32 s25;
	s26 =	sadd.s32 $0x4180, s26;
	[tilespmem:s25+$0x30] =	vst v63;
	v7 =	vld.idx.msk [tilespmem:v8+s14+$0x0], $0xffff  }
.LBB2_5:
0x4d: {  	v8 =	vld [tilespmem:s30+$0x30];
	s29 =	sadd.s32 $0x8, s29;
	[tilespmem:s28+$0xFFFFFFC0] =	vst v3  }
0x4e: {  	v3 =	vld [tilespmem:s30+$0xFFFFFFD0];
	p0 =	slt.u32 s29, $0x38;
	[tilespmem:s28+$0x40] =	vst v4  }
0x4f: {  	v4 =	vld [tilespmem:s30+$0xFFFFFFE0];
	[tilespmem:s28+$0xFFFFFFD0] =	vst v2  }
0x50: {  	v2 =	vld [tilespmem:s30+$0xFFFFFFF0];
	[tilespmem:s28+$0x50] =	vst v5  }
0x51: {  	v5 =	vld [tilespmem:s30+$0x0];
	[tilespmem:s28+$0xFFFFFFE0] =	vst v6  }
0x52: {  	v6 =	vld [tilespmem:s30+$0x10];
	[tilespmem:s28+$0x60] =	vst v7  }
0x53: {  	v7 =	vld [tilespmem:s30+$0x20]  }
0x54: {  	v9 =	vld [tilespmem:s30+$0xFFFFFFC0]  }
0x55: {  	v10 =	vld.idx.msk [tilespmem:v8+s14+$0x0], $0xffff  }
0x56: {  	v11 =	vld.idx.msk [tilespmem:v3+s13+$0x0], $0xffff  }
0x57: {  	v3 =	vld.idx.msk [tilespmem:v3+s14+$0x0], $0xffff  }
0x58: {  	v12 =	vld.idx.msk [tilespmem:v4+s13+$0x0], $0xffff  }
0x59: {  	v4 =	vld.idx.msk [tilespmem:v4+s14+$0x0], $0xffff  }
0x5a: {  	s28 =	sadd.s32 $0x100, s28;
	v13 =	vld.idx.msk [tilespmem:v2+s13+$0x0], $0xffff  }
0x5b: {  	v8 =	vld.idx.msk [tilespmem:v8+s13+$0x0], $0xffff;
	[tilespmem:s28+$0x70] =	vst v10  }
0x5c: {  	v10 =	vld.idx.msk [tilespmem:v9+s13+$0x0], $0xffff;
	[tilespmem:s28+$0xFFFFFF90] =	vst v11  }
0x5d: {  	v9 =	vld.idx.msk [tilespmem:v9+s14+$0x0], $0xffff;
	[tilespmem:s28+$0x10] =	vst v3  }
0x5e: {  	[tilespmem:s28+$0xFFFFFFA0] =	vst v12;
	v11 =	vld.idx.msk [tilespmem:v2+s14+$0x0], $0xffff  }
0x5f: {  	[tilespmem:s28+$0x20] =	vst v4;
	v3 =	vld.idx.msk [tilespmem:v5+s13+$0x0], $0xffff  }
.Ltmp5:
0x60: {  	[tilespmem:s28+$0xFFFFFFB0] =	vst v13;
	v4 =	vld.idx.msk [tilespmem:v5+s14+$0x0], $0xffff;
	(pc) =	sbr.rel @p0 .LBB2_5-.Ltmp5, $4  }
0x61: {  	v2 =	vld.idx.msk [tilespmem:v6+s13+$0x0], $0xffff;
	[tilespmem:s28+$0xFFFFFFF0] =	vst v8  }
0x62: {  	[tilespmem:s28+$0xFFFFFF80] =	vst v10;
	v5 =	vld.idx.msk [tilespmem:v6+s14+$0x0], $0xffff  }
0x63: {  	[tilespmem:s28+$0x0] =	vst v9;
	v6 =	vld.idx.msk [tilespmem:v7+s13+$0x0], $0xffff  }
0x64: {  	s30 =	sadd.s32 $0x400, s30;
	[tilespmem:s28+$0x30] =	vst v11;
	v7 =	vld.idx.msk [tilespmem:v7+s14+$0x0], $0xffff  }
0x65: {  	[tilespmem:s28+$0xFFFFFFC0] =	vst v3;
	s29 =	sshll.u32 s23, $0xC;
	s23 =	sadd.s32 $0x1, s23  }
0x66: {  	[tilespmem:s28+$0x40] =	vst v4;
	p0 =	sne.s32 s23, $0x8  }
.Ltmp6:
0x67: {  	[tilespmem:s28+$0xFFFFFFD0] =	vst v2;
	(pc) =	sbr.rel @p0 .LBB2_4-.Ltmp6, $4  }
0x68: {  	[tilespmem:s28+$0x50] =	vst v5  }
0x69: {  	[tilespmem:s28+$0xFFFFFFE0] =	vst v6  }
0x6a: {  	s24 =	sadd.s32 $0x80, s24;
	s25 =	sadd.s32 $0x800, s25;
	s31 =	sadd.s32 s29, s22;
	[tilespmem:s28+$0x60] =	vst v7  }
0x6b: {  	[hbm4b:s31+s4] =	stream.linear.scatter [tilespmem:s26], [sflag:$0x3], $0x800, $0x38;
	[tilespmem:$0xC180] =	vst v63  }
.LBB2_7:
0x6c: {  	p0 =	sge.u32 s20, s7  }
.Ltmp7:
0x6d: {  	_ = 	snop;
	(pc) =	sbr.rel @p0 .LBB2_12-.Ltmp7, $1  }
0x6e: {  	_ =	sdelay $0x3  }
0x6f: {  	s21 =	sadd.s32 $0x2, s21  }
0x70: {  	p0 =	sge.u32 s21, s7  }
0x71: {  	s21 =	sadd.s32 @!p0 s6, s21  }
0x72: {  	s21 =	sshll.u32 @!p0 s21, $0xA  }
0x73: {  	s20 =	sadd.s32 s6, s20;
	s21 =	sand.u32 @!p0 $0x1FFFFC00, s21  }
0x74: {  	s22 =	simm.s32 @!p0 $0x0;
	s23 =	simm.s32 @!p0 $0x180;
	s21 =	sadd.s32 @!p0 s1, s21  }
0x75: {  	[tilespmem:s23], [sflag:$0x1] =	stream.linear.gather @!p0 [hbm4b:s21+s22], $0x2000, $0x38;
	[tilespmem:$0xC180] =	vst v63  }
0x76: {  	s31 =	sshll.u32 s20, $0xB;
	_ =	swait.ge [sflag:s15], $0x2000  }
0x77: {  	s20 =	sshll.u32 s20, $0x8;
	p0 =	seq.s32 s19, $0x0;
	[sflag:s15] =	ssyncset.done $0x0  }
0x78: {  	s20 =	sand.u32 $0xF00, s20;
	s22 =	simm.s32 @!p0 $0x4;
	[sflag:s15] =	ssyncadd.s32 $0xFFFFE000  }
0x79: {  	s21 =	sand.u32 $0xFFF8000, s31;
	s23 =	simm.s32 $0x8200;
	_ =	swait.ge @!p0 [sflag:s22], $0x4000  }
0x7a: {  	s20 =	sor.u32 s20, s21;
	s21 =	simm.s32 $0x0;
	[sflag:s22] =	ssyncset.done @!p0 $0x0  }
0x7b: {  	s20 =	sadd.s32 s3, s20;
	[sflag:s22] =	ssyncadd.s32 @!p0 $0xFFFFC000;
	s22 =	simm.s32 $0x21C0  }
.LBB2_9:
0x7c: {  	v2 =	vld [tilespmem:s22+$0x30]  }
0x7d: {  	v3 =	vld [tilespmem:s22+$0xFFFFFFD0]  }
0x7e: {  	v4 =	vld [tilespmem:s22+$0xFFFFFFE0]  }
0x7f: {  	v5 =	vld [tilespmem:s22+$0xFFFFFFF0]  }
0x80: {  	v6 =	vld [tilespmem:s22+$0x0]  }
0x81: {  	v7 =	vld [tilespmem:s22+$0x10]  }
0x82: {  	v8 =	vld [tilespmem:s22+$0x20]  }
0x83: {  	v9 =	vld [tilespmem:s22+$0xFFFFFFC0]  }
0x84: {  	v10 =	vld.idx.msk [tilespmem:v2+s14+$0x0], $0xffff  }
0x85: {  	v11 =	vld.idx.msk [tilespmem:v3+s13+$0x0], $0xffff  }
0x86: {  	v3 =	vld.idx.msk [tilespmem:v3+s14+$0x0], $0xffff  }
0x87: {  	v12 =	vld.idx.msk [tilespmem:v4+s13+$0x0], $0xffff  }
0x88: {  	v4 =	vld.idx.msk [tilespmem:v4+s14+$0x0], $0xffff  }
0x89: {  	v13 =	vld.idx.msk [tilespmem:v2+s13+$0x0], $0xffff  }
0x8a: {  	v2 =	vld.idx.msk [tilespmem:v5+s13+$0x0], $0xffff;
	[tilespmem:s23+$0x70] =	vst v10  }
0x8b: {  	v62 =	vld.idx.msk [tilespmem:v9+s13+$0x0], $0xffff;
	[tilespmem:s23+$0xFFFFFF90] =	vst v11  }
0x8c: {  	v9 =	vld.idx.msk [tilespmem:v9+s14+$0x0], $0xffff;
	[tilespmem:s23+$0x10] =	vst v3  }
0x8d: {  	v63 =	vld.idx.msk [tilespmem:v5+s14+$0x0], $0xffff;
	[tilespmem:s23+$0xFFFFFFA0] =	vst v12  }
0x8e: {  	v5 =	vld.idx.msk [tilespmem:v7+s14+$0x0], $0xffff;
	[tilespmem:s23+$0x20] =	vst v4  }
0x8f: {  	v3 =	vld.idx.msk [tilespmem:v6+s13+$0x0], $0xffff;
	[tilespmem:s23+$0xFFFFFFB0] =	vst v2  }
0x90: {  	v4 =	vld.idx.msk [tilespmem:v6+s14+$0x0], $0xffff;
	[tilespmem:s23+$0xFFFFFFF0] =	vst v13  }
0x91: {  	s24 =	sshll.u32 s21, $0xB;
	v2 =	vld.idx.msk [tilespmem:v7+s13+$0x0], $0xffff;
	[tilespmem:s23+$0xFFFFFF80] =	vst v62  }
0x92: {  	s26 =	simm.s32 $0x0;
	s24 =	sand.u32 $0x3FFFF800, s24;
	[tilespmem:s23+$0x0] =	vst v9;
	v6 =	vld.idx.msk [tilespmem:v8+s13+$0x0], $0xffff  }
0x93: {  	s28 =	sadd.s32 $0x400, s22;
	s25 =	smov.u32 s23;
	s24 =	sadd.s32 $0x8180, s24;
	[tilespmem:s23+$0x30] =	vst v63;
	v7 =	vld.idx.msk [tilespmem:v8+s14+$0x0], $0xffff  }
.LBB2_10:
0x94: {  	v8 =	vld [tilespmem:s28+$0x30];
	s26 =	sadd.s32 $0x8, s26;
	[tilespmem:s25+$0xFFFFFFC0] =	vst v3  }
0x95: {  	v3 =	vld [tilespmem:s28+$0xFFFFFFD0];
	p0 =	slt.u32 s26, $0x38;
	[tilespmem:s25+$0x40] =	vst v4  }
0x96: {  	v4 =	vld [tilespmem:s28+$0xFFFFFFE0];
	[tilespmem:s25+$0xFFFFFFD0] =	vst v2  }
0x97: {  	v2 =	vld [tilespmem:s28+$0xFFFFFFF0];
	[tilespmem:s25+$0x50] =	vst v5  }
0x98: {  	v5 =	vld [tilespmem:s28+$0x0];
	[tilespmem:s25+$0xFFFFFFE0] =	vst v6  }
0x99: {  	v6 =	vld [tilespmem:s28+$0x10];
	[tilespmem:s25+$0x60] =	vst v7  }
0x9a: {  	v7 =	vld [tilespmem:s28+$0x20]  }
0x9b: {  	v9 =	vld [tilespmem:s28+$0xFFFFFFC0]  }
0x9c: {  	v10 =	vld.idx.msk [tilespmem:v8+s14+$0x0], $0xffff  }
0x9d: {  	v11 =	vld.idx.msk [tilespmem:v3+s13+$0x0], $0xffff  }
0x9e: {  	v3 =	vld.idx.msk [tilespmem:v3+s14+$0x0], $0xffff  }
0x9f: {  	v12 =	vld.idx.msk [tilespmem:v4+s13+$0x0], $0xffff  }
0xa0: {  	v4 =	vld.idx.msk [tilespmem:v4+s14+$0x0], $0xffff  }
0xa1: {  	s25 =	sadd.s32 $0x100, s25;
	v13 =	vld.idx.msk [tilespmem:v2+s13+$0x0], $0xffff  }
0xa2: {  	v8 =	vld.idx.msk [tilespmem:v8+s13+$0x0], $0xffff;
	[tilespmem:s25+$0x70] =	vst v10  }
0xa3: {  	v10 =	vld.idx.msk [tilespmem:v9+s13+$0x0], $0xffff;
	[tilespmem:s25+$0xFFFFFF90] =	vst v11  }
0xa4: {  	v9 =	vld.idx.msk [tilespmem:v9+s14+$0x0], $0xffff;
	[tilespmem:s25+$0x10] =	vst v3  }
0xa5: {  	[tilespmem:s25+$0xFFFFFFA0] =	vst v12;
	v11 =	vld.idx.msk [tilespmem:v2+s14+$0x0], $0xffff  }
0xa6: {  	[tilespmem:s25+$0x20] =	vst v4;
	v3 =	vld.idx.msk [tilespmem:v5+s13+$0x0], $0xffff  }
.Ltmp8:
0xa7: {  	[tilespmem:s25+$0xFFFFFFB0] =	vst v13;
	v4 =	vld.idx.msk [tilespmem:v5+s14+$0x0], $0xffff;
	(pc) =	sbr.rel @p0 .LBB2_10-.Ltmp8, $4  }
0xa8: {  	v2 =	vld.idx.msk [tilespmem:v6+s13+$0x0], $0xffff;
	[tilespmem:s25+$0xFFFFFFF0] =	vst v8  }
0xa9: {  	[tilespmem:s25+$0xFFFFFF80] =	vst v10;
	v5 =	vld.idx.msk [tilespmem:v6+s14+$0x0], $0xffff  }
0xaa: {  	[tilespmem:s25+$0x0] =	vst v9;
	v6 =	vld.idx.msk [tilespmem:v7+s13+$0x0], $0xffff  }
0xab: {  	s28 =	sadd.s32 $0x400, s28;
	[tilespmem:s25+$0x30] =	vst v11;
	v7 =	vld.idx.msk [tilespmem:v7+s14+$0x0], $0xffff  }
0xac: {  	[tilespmem:s25+$0xFFFFFFC0] =	vst v3;
	s26 =	sshll.u32 s21, $0xC;
	s21 =	sadd.s32 $0x1, s21  }
0xad: {  	[tilespmem:s25+$0x40] =	vst v4;
	p0 =	sne.s32 s21, $0x8  }
.Ltmp9:
0xae: {  	[tilespmem:s25+$0xFFFFFFD0] =	vst v2;
	(pc) =	sbr.rel @p0 .LBB2_9-.Ltmp9, $4  }
.Ltmp10:
0xaf: {  	[tilespmem:s25+$0x50] =	vst v5;
	(pc) =	sbr.rel @!p0 .LBB2_12-.Ltmp10, $4  }
0xb0: {  	[tilespmem:s25+$0xFFFFFFE0] =	vst v6  }
0xb1: {  	s22 =	sadd.s32 $0x80, s22;
	s23 =	sadd.s32 $0x800, s23;
	s31 =	sadd.s32 s26, s20;
	[tilespmem:s25+$0x60] =	vst v7  }
0xb2: {  	[hbm4b:s31+s4] =	stream.linear.scatter [tilespmem:s24], [sflag:$0x4], $0x800, $0x38;
	[tilespmem:$0xC180] =	vst v63  }
0xb3: {  	_ = 	snop  }
.LBB2_14:
0xb4: {  	_ =	sfence.sel $0x180000  }
0xb5: {  	[bflag:$0x0] =	sbarrier.arrive $0xFFFF  }
0xb6: {  	p0 =	sne.s32 s0, $0x0;
	_ =	strace $0x90000047  }
0xb7: {  	s0 =	sadd.s32 @!p0 $0x100000, s2;
	[bflag:$0x2] =	sbarrier.arrive $0xFFFF  }
0xb8: {  	[sflag:s0] =	ssyncadd.tile.s32 @!p0 $0x1;
	_ =	shalt  }
.Lfunc_end2:
_tile_overlayer_lowered:
.L_overlay_start_2:
0xb9: {  	(tag) =	ssettag $0x2  }
0xba: {  	s0 =	rddreg [dreg:$0x0];
	s2 =	stileid.u32  }
0xbb: {  	s1 =	rddreg [dreg:$0x1];
	p0 =	sne.s32 s2, $0x0  }
0xbc: {  	s3 =	rddreg [dreg:$0x2];
	[bflag:$0x3] =	sbarrier.arrive $0xFFFF;
	s2 =	simm.s32 @!p0 $0x1C05  }
0xbd: {  	[timem:s3], [sflag:s2] =	dma.local @!p0 [hbm:s0], s1  }
0xbe: {  	s0 =	simm.s32 @!p0 $0x5  }
0xbf: {  	_ =	swait.ge @!p0 [sflag:s0], s1  }
0xc0: {  	s1 =	ssub.s32 @!p0 $0x0, s1;
	[sflag:s0] =	ssyncset.done @!p0 $0x0  }
0xc1: {  	[sflag:s0] =	ssyncadd.s32 @!p0 s1  }
0xc2: {  	[bflag:$0x3] =	sbarrier.arrive $0xFFFF  }
0xc3: {  	_ =	shalt  }

</sc_bundles>
